<compile_context>
chip_gen: v7x
topology: tpu7x:2x2x1
jax: 0.10.2.dev20260603
libtpu: 0.0.44.dev20260713+nightly
codegen_flags: <defaults>
</compile_context>

<pallas_src>
import functools

import jax
import jax.numpy as jnp
from jax import lax
from jax.experimental import pallas as pl
from jax.experimental.pallas import tpu as pltpu



def _conv(x, w, stride):
    return lax.conv_general_dilated(
        x, w, (stride, stride), 'SAME',
        dimension_numbers=('NCHW', 'OIHW', 'NCHW'))


def _up_conv(x, w, precision=None):
    w0, w1, w2 = w[:, :, 0], w[:, :, 1], w[:, :, 2]
    kr = jnp.stack([w0, w0 + w1, w1 + w2, w2], axis=2)
    c0, c1, c2 = kr[..., 0], kr[..., 1], kr[..., 2]
    k4 = jnp.stack([c0, c0 + c1, c1 + c2, c2], axis=3)
    return lax.conv_general_dilated(
        x, k4, (1, 1), ((2, 2), (2, 2)), lhs_dilation=(2, 2),
        dimension_numbers=('NCHW', 'OIHW', 'NCHW'),
        precision=precision)


def _avgpool(x, win=11):
    s = lax.reduce_window(x, 0.0, lax.add, (1, 1, win, 1), (1, 1, 1, 1), 'VALID')
    s = lax.reduce_window(s, 0.0, lax.add, (1, 1, 1, win), (1, 1, 1, 1), 'VALID')
    return s / float(win * win)


def _ssim(x, y):
    C1 = 0.01 ** 2
    C2 = 0.03 ** 2
    mx = _avgpool(x)
    my = _avgpool(y)
    sx = _avgpool(x * x) - mx * mx
    sy = _avgpool(y * y) - my * my
    sxy = _avgpool(x * y) - mx * my
    num = (2.0 * mx * my + C1) * (2.0 * sxy + C2)
    den = (mx * mx + my * my + C1) * (sx + sy + C2)
    return jnp.mean(num / den)



_KB = 2048


def _pq_kernel(invt_ref, zg_ref, cb_ref,
               logits_ref, codes_ref, ent_ref,
               m_scr, z_scr, s_scr, bv_scr, bi_scr):
    kk = pl.program_id(1)
    nk = pl.num_programs(1)

    zg = zg_ref[0]
    cb = cb_ref[0]
    invt = invt_ref[0, 0]

    @pl.when(kk == 0)
    def _init():
        m_scr[...] = jnp.full_like(m_scr[...], -jnp.inf)
        z_scr[...] = jnp.zeros_like(z_scr[...])
        s_scr[...] = jnp.zeros_like(s_scr[...])
        bv_scr[...] = jnp.full_like(bv_scr[...], -jnp.inf)
        bi_scr[...] = jnp.zeros_like(bi_scr[...])

    dots = lax.dot_general(zg, cb, (((1,), (1,)), ((), ())),
                           preferred_element_type=jnp.float32)
    z2 = jnp.sum(zg * zg, axis=1, keepdims=True)
    c2 = jnp.sum(cb * cb, axis=1)[None, :]
    logits = 2.0 * dots - z2 - c2
    logits_ref[0] = logits

    bmax = jnp.max(logits, axis=1, keepdims=True)
    iota = lax.broadcasted_iota(jnp.int32, logits.shape, 1)
    local = jnp.min(jnp.where(logits == bmax, iota, jnp.int32(2 ** 30)),
                    axis=1, keepdims=True)

    upd = bmax > bv_scr[...]
    bv_scr[...] = jnp.where(upd, bmax, bv_scr[...])
    bi_scr[...] = jnp.where(upd, local + kk * _KB, bi_scr[...])

    l = logits * invt
    lmax = bmax * invt
    m_old = m_scr[...]
    m_new = jnp.maximum(m_old, lmax)
    alpha = jnp.exp(m_old - m_new)
    e = jnp.exp(l - m_new)
    z_scr[...] = z_scr[...] * alpha + jnp.sum(e, axis=1, keepdims=True)
    s_scr[...] = s_scr[...] * alpha + jnp.sum(e * l, axis=1, keepdims=True)
    m_scr[...] = m_new

    @pl.when(kk == nk - 1)
    def _fin():
        m = m_scr[...]
        z = z_scr[...]
        s = s_scr[...]
        ent_ref[0] = (m + jnp.log(z)) - s / z
        codes_ref[0] = bi_scr[...]


def _pq_quantize(zg, codebook, invt):
    G, T, d = zg.shape
    m, k, _ = codebook.shape
    nk = k // _KB
    grid = (G, nk)
    return pl.pallas_call(
        _pq_kernel,
        grid=grid,
        in_specs=[
            pl.BlockSpec(memory_space=pltpu.SMEM),
            pl.BlockSpec((1, T, d), lambda i, j: (i, 0, 0)),
            pl.BlockSpec((1, _KB, d), lambda i, j: (i % m, j, 0)),
        ],
        out_specs=[
            pl.BlockSpec((1, T, _KB), lambda i, j: (i, 0, j)),
            pl.BlockSpec((1, T, 1), lambda i, j: (i, 0, 0)),
            pl.BlockSpec((1, T, 1), lambda i, j: (i, 0, 0)),
        ],
        out_shape=[
            jax.ShapeDtypeStruct((G, T, k), jnp.float32),
            jax.ShapeDtypeStruct((G, T, 1), jnp.int32),
            jax.ShapeDtypeStruct((G, T, 1), jnp.float32),
        ],
        scratch_shapes=[
            pltpu.VMEM((T, 1), jnp.float32),
            pltpu.VMEM((T, 1), jnp.float32),
            pltpu.VMEM((T, 1), jnp.float32),
            pltpu.VMEM((T, 1), jnp.float32),
            pltpu.VMEM((T, 1), jnp.int32),
        ],
        compiler_params=pltpu.CompilerParams(
            dimension_semantics=("arbitrary", "arbitrary")),
    )(invt, zg, codebook)



def _sc_gather(table, idx):
    from jax.experimental.pallas import tpu_sc as plsc
    info = plsc.get_sparse_core_info()
    nc, ns = info.num_cores, info.num_subcores
    nw = nc * ns
    n, d = idx.shape[0], table.shape[1]
    b_per_w = n // nw
    mesh = plsc.VectorSubcoreMesh(core_axis_name="c", subcore_axis_name="s")

    @functools.partial(
        pl.kernel, mesh=mesh,
        out_type=jax.ShapeDtypeStruct((n, d), jnp.float32),
        scratch_types=[
            pltpu.VMEM((b_per_w,), jnp.int32),
            pltpu.VMEM((b_per_w, d), jnp.float32),
            pltpu.SemaphoreType.DMA,
        ],
    )
    def gather(table_hbm, idx_hbm, out_hbm, idx_v, rows_v, sem):
        wid = lax.axis_index("s") * nc + lax.axis_index("c")
        base = wid * b_per_w
        pltpu.sync_copy(idx_hbm.at[pl.ds(base, b_per_w)], idx_v)
        pltpu.async_copy(table_hbm.at[idx_v], rows_v, sem).wait()
        pltpu.sync_copy(rows_v, out_hbm.at[pl.ds(base, b_per_w)])

    return gather(table, idx)



def kernel(image, temp, enc_w1, enc_w2, enc_w3, enc_w4,
           dec_w1, dec_w2, dec_w3, dec_w4, codebook):
    h = jax.nn.relu(_conv(image, enc_w1, 2))
    h = jax.nn.relu(_conv(h, enc_w2, 2))
    h = jax.nn.relu(_conv(h, enc_w3, 2))
    z = _conv(h, enc_w4, 2)
    B, C, hh, ww = z.shape
    m, k, d = codebook.shape
    T = hh * ww

    zg = z.reshape(B, m, d, T).transpose(0, 1, 3, 2)
    invt = (1.0 / jnp.asarray(temp, jnp.float32)).reshape(1, 1)

    logits_g, codes_g, ent_g = _pq_quantize(
        zg.reshape(B * m, T, d), codebook, invt)

    logits = logits_g.reshape(B, m, T, k)
    trueCodes = codes_g.reshape(B, m, T)
    reg = jnp.mean(ent_g)

    gidx = (trueCodes + (jnp.arange(m, dtype=jnp.int32) * k)[None, :, None])
    n = B * m * T
    npad = ((n + 255) // 256) * 256
    gidx = jnp.pad(gidx.reshape(n), (0, npad - n))
    table = codebook.reshape(m * k // 2, 2 * d)
    pairs = _sc_gather(table, gidx >> 1)[:n]
    qhard = jnp.where((gidx[:n] & 1)[:, None] == 0, pairs[:, :d], pairs[:, d:])
    qhard = qhard.reshape(B, m, T, d)
    quantized = qhard.transpose(0, 1, 3, 2).reshape(B, C, hh, ww)

    h = jax.nn.relu(_up_conv(quantized, dec_w1, lax.Precision.HIGHEST))
    h = jax.nn.relu(_up_conv(h, dec_w2, lax.Precision.HIGHEST))
    h = jax.nn.relu(_up_conv(h, dec_w3))
    restored = _up_conv(h, dec_w4)

    ssimLoss = 1.0 - _ssim(image, restored)
    diff = restored - image
    l1l2Loss = jnp.mean(jnp.abs(diff)) + jnp.mean(diff * diff)

    return ((ssimLoss, l1l2Loss, reg), (restored, trueCodes, quantized, logits))

# --- scband reference (transcript-rebuilt; emitter-appended) ---
"""Pipeline reference for scband-whole-pqq-20005957665281 (READ-ONLY COPY).

The authoritative reference and input builder live on the scoring server;
editing this copy changes nothing except your own understanding.
"""

import jax, jax.numpy as jnp
import numpy as np


def _conv(x, w, stride):
    return jax.lax.conv_general_dilated(x, w, (stride, stride), 'SAME', dimension_numbers=('NCHW', 'OIHW', 'NCHW'))


def _up(x):
    return jnp.repeat(jnp.repeat(x, 2, axis=2), 2, axis=3)


def _avgpool(x, win=11):
    s = jax.lax.reduce_window(x, 0.0, jax.lax.add, (1, 1, win, win), (1, 1, 1, 1), 'VALID')
    return s / float(win * win)


def _ssim(x, y):
    C1 = 0.01 ** 2
    C2 = 0.03 ** 2
    mx = _avgpool(x)
    my = _avgpool(y)
    sx = _avgpool(x * x) - mx * mx
    sy = _avgpool(y * y) - my * my
    sxy = _avgpool(x * y) - mx * my
    num = (2.0 * mx * my + C1) * (2.0 * sxy + C2)
    den = (mx * mx + my * my + C1) * (sx + sy + C2)
    return jnp.mean(num / den)


def _forward(image, temp, enc_w1, enc_w2, enc_w3, enc_w4, dec_w1, dec_w2, dec_w3, dec_w4, codebook):
    # Encoder: 4 stride-2 convs, 384 -> 24
    h = jax.nn.relu(_conv(image, enc_w1, 2))
    h = jax.nn.relu(_conv(h, enc_w2, 2))
    h = jax.nn.relu(_conv(h, enc_w3, 2))
    z = _conv(h, enc_w4, 2)
    B, C, hh, ww = z.shape
    m, k, d = codebook.shape
    T = hh * ww
    # Product quantization: split channels into m groups of d
    zg = z.reshape(B, m, d, T).transpose(0, 1, 3, 2)  # [B,m,T,d]
    z2 = jnp.sum(zg * zg, axis=-1, keepdims=True)
    c2 = jnp.sum(codebook * codebook, axis=-1)  # [m,k]
    dots = jnp.einsum('bmtd,mkd->bmtk', zg, codebook)
    logits = -(z2 - 2.0 * dots + c2[None, :, None, :])  # [B,m,T,k]
    trueCodes = jnp.argmax(logits, axis=-1)  # [B,m,T] int
    onehot = jax.nn.one_hot(trueCodes, k, dtype=zg.dtype)
    qhard = jnp.einsum('bmtk,mkd->bmtd', onehot, codebook)
    # straight-through estimator
    qst = zg + jax.lax.stop_gradient(qhard - zg)
    quantized = qst.transpose(0, 1, 3, 2).reshape(B, C, hh, ww)
    # Decoder: 4x (nearest-neighbor upsample x2 + conv), 24 -> 384
    h = jax.nn.relu(_conv(_up(quantized), dec_w1, 1))
    h = jax.nn.relu(_conv(_up(h), dec_w2, 1))
    h = jax.nn.relu(_conv(_up(h), dec_w3, 1))
    restored = _conv(_up(h), dec_w4, 1)
    # CompressionLossQ
    ssimLoss = 1.0 - _ssim(image, restored)
    diff = restored - image
    l1l2Loss = jnp.mean(jnp.abs(diff)) + jnp.mean(diff * diff)
    logp = jax.nn.log_softmax(logits / jnp.asarray(temp, logits.dtype), axis=-1)
    p = jnp.exp(logp)
    reg = jnp.mean(jnp.sum(-p * logp, axis=-1))
    return ssimLoss, l1l2Loss, reg, restored, trueCodes, quantized, logits


def setup_inputs(seed: int = 0):
    key = jax.random.key(seed)
    ks = jax.random.split(key, 12)

    def w(kk, o, i):
        return jax.random.normal(kk, (o, i, 3, 3), dtype=jnp.float32) * (1.0 / np.sqrt(i * 9.0))

    return {
        'image': jax.random.normal(ks[0], (2, 3, 384, 384), dtype=jnp.float32),
        'temp': 1,
        'enc_w1': w(ks[1], 64, 3),
        'enc_w2': w(ks[2], 128, 64),
        'enc_w3': w(ks[3], 256, 128),
        'enc_w4': w(ks[4], 256, 256),
        'dec_w1': w(ks[5], 256, 256),
        'dec_w2': w(ks[6], 128, 256),
        'dec_w3': w(ks[7], 64, 128),
        'dec_w4': w(ks[8], 3, 64),
        'codebook': jax.random.normal(ks[9], (4, 8192, 64), dtype=jnp.float32) * 0.1,
    }


def reference(image, temp, enc_w1, enc_w2, enc_w3, enc_w4, dec_w1, dec_w2, dec_w3, dec_w4, codebook):
    ssimLoss, l1l2Loss, reg, restored, trueCodes, quantized, logits = _forward(
        image, temp, enc_w1, enc_w2, enc_w3, enc_w4, dec_w1, dec_w2, dec_w3, dec_w4, codebook)
    return ((ssimLoss, l1l2Loss, reg), (restored, trueCodes, quantized, logits))

if __name__ == "__main__":
    import jax
    _d = setup_inputs()
    print(jax.jit(kernel)(*tuple(_d.values())))

</pallas_src>

<mosaic_0001>
#map = affine_map<(d0, d1) -> (0, 0)>
#map1 = affine_map<(d0, d1) -> (0)>
module attributes {stable_mosaic.version = 14 : i64} {
  func.func @gather(%arg0: i32, %arg1: i32, %arg2: memref<16384x128xf32, #tpu.memory_space<hbm>>, %arg3: memref<4608xi32, #tpu.memory_space<hbm>>, %arg4: memref<4608x128xf32, #tpu.memory_space<hbm>>, %arg5: memref<144xi32, #tpu.memory_space<vmem>>, %arg6: memref<144x128xf32, #tpu.memory_space<vmem>>, %arg7: memref<!tpu.dma_semaphore, #tpu.memory_space<semaphore_mem>>) attributes {dimension_semantics = [#tpu.dimension_semantics<core_parallel>, #tpu.dimension_semantics<subcore_parallel>], iteration_bounds = array<i64: 2, 16>, scalar_prefetch = 0 : i64, scratch_operands = 3 : i64, tpu.core_type = #tpu.core_type<sc_vector_subcore>, window_params = [{transform_indices = #map}, {transform_indices = #map1}, {transform_indices = #map}]} {
    %mul3A = arith.constant 2 : i32
    %mul3A_0 = arith.muli %arg1, %mul3A : i32
    %add3A = arith.addi %mul3A_0, %arg0 : i32
    %mul3A_1 = arith.constant 144 : i32
    %mul3A_2 = arith.muli %add3A, %mul3A_1 : i32
    "tpu.region"() ({
      %run_scoped3A = tpu.sem_alloc : memref<!tpu.dma_semaphore, #tpu.memory_space<semaphore_mem>>
      %dma_start3A_7 = tpu.memref_slice %arg3[%mul3A_2] : memref<4608xi32, #tpu.memory_space<hbm>> -> memref<144xi32, #tpu.memory_space<hbm>>
      %dma_start3A_8 = tpu.memref_slice %arg3[%mul3A_2] : memref<4608xi32, #tpu.memory_space<hbm>> -> memref<144xi32, #tpu.memory_space<hbm>>
      tpu.enqueue_dma source(%dma_start3A_8 : memref<144xi32, #tpu.memory_space<hbm>>) target(%arg5 : memref<144xi32, #tpu.memory_space<vmem>>) target_semaphore(%run_scoped3A : memref<!tpu.dma_semaphore, #tpu.memory_space<semaphore_mem>>)
      %dma_wait3A_9 = tpu.memref_slice %arg3[%mul3A_2] : memref<4608xi32, #tpu.memory_space<hbm>> -> memref<144xi32, #tpu.memory_space<hbm>>
      %dma_wait3A_10 = tpu.memref_slice %arg3[%mul3A_2] : memref<4608xi32, #tpu.memory_space<hbm>> -> memref<144xi32, #tpu.memory_space<hbm>>
      tpu.wait_dma2 semaphore(%run_scoped3A : memref<!tpu.dma_semaphore, #tpu.memory_space<semaphore_mem>>) src(%dma_wait3A_10 : memref<144xi32, #tpu.memory_space<hbm>>) dst(%arg5 : memref<144xi32, #tpu.memory_space<vmem>>)
      tpu.yield
    }) : () -> ()
    %dma_start3A = arith.constant 0 : i32
    %dma_start3A_3 = arith.constant 0 : i32
    %dma_start3A_4 = tpu.memref_slice %arg2[%dma_start3A, %dma_start3A_3] : memref<16384x128xf32, #tpu.memory_space<hbm>> -> memref<16384x128xf32, #tpu.memory_space<hbm>>
    tpu.enqueue_indirect_dma source(%dma_start3A_4 : memref<16384x128xf32, #tpu.memory_space<hbm>>) target(%arg6 : memref<144x128xf32, #tpu.memory_space<vmem>>) offsets(%arg5 : memref<144xi32, #tpu.memory_space<vmem>>) semaphore(%arg7 : memref<!tpu.dma_semaphore, #tpu.memory_space<semaphore_mem>>)
    %dma_wait3A = arith.constant 0 : i32
    %dma_wait3A_5 = arith.constant 0 : i32
    %dma_wait3A_6 = tpu.memref_slice %arg2[%dma_wait3A, %dma_wait3A_5] : memref<16384x128xf32, #tpu.memory_space<hbm>> -> memref<16384x128xf32, #tpu.memory_space<hbm>>
    tpu.wait_indirect_dma semaphore(%arg7 : memref<!tpu.dma_semaphore, #tpu.memory_space<semaphore_mem>>) src(%dma_wait3A_6 : memref<16384x128xf32, #tpu.memory_space<hbm>>) dst(%arg6 : memref<144x128xf32, #tpu.memory_space<vmem>>)
    "tpu.region"() ({
      %run_scoped3A = tpu.sem_alloc : memref<!tpu.dma_semaphore, #tpu.memory_space<semaphore_mem>>
      %dma_start3A_7 = arith.constant 0 : i32
      %dma_start3A_8 = tpu.memref_slice %arg4[%mul3A_2, %dma_start3A_7] : memref<4608x128xf32, #tpu.memory_space<hbm>> -> memref<144x128xf32, #tpu.memory_space<hbm>>
      %dma_start3A_9 = arith.constant 0 : i32
      %dma_start3A_10 = tpu.memref_slice %arg4[%mul3A_2, %dma_start3A_9] : memref<4608x128xf32, #tpu.memory_space<hbm>> -> memref<144x128xf32, #tpu.memory_space<hbm>>
      tpu.enqueue_dma source(%arg6 : memref<144x128xf32, #tpu.memory_space<vmem>>) target(%dma_start3A_10 : memref<144x128xf32, #tpu.memory_space<hbm>>) target_semaphore(%run_scoped3A : memref<!tpu.dma_semaphore, #tpu.memory_space<semaphore_mem>>)
      %dma_wait3A_11 = arith.constant 0 : i32
      %dma_wait3A_12 = tpu.memref_slice %arg4[%mul3A_2, %dma_wait3A_11] : memref<4608x128xf32, #tpu.memory_space<hbm>> -> memref<144x128xf32, #tpu.memory_space<hbm>>
      %dma_wait3A_13 = arith.constant 0 : i32
      %dma_wait3A_14 = tpu.memref_slice %arg4[%mul3A_2, %dma_wait3A_13] : memref<4608x128xf32, #tpu.memory_space<hbm>> -> memref<144x128xf32, #tpu.memory_space<hbm>>
      tpu.wait_dma2 semaphore(%run_scoped3A : memref<!tpu.dma_semaphore, #tpu.memory_space<semaphore_mem>>) src(%arg6 : memref<144x128xf32, #tpu.memory_space<vmem>>) dst(%dma_wait3A_14 : memref<144x128xf32, #tpu.memory_space<hbm>>)
      tpu.yield
    }) : () -> ()
    return
  }
}

module attributes {stable_mosaic.version = 14 : i64} {
  func.func @_pq_kernel(%arg0: i32, %arg1: i32, %arg2: memref<1x1xf32, #tpu.memory_space<smem>>, %arg3: memref<1x576x64xf32, #tpu.memory_space<vmem>>, %arg4: memref<1x2048x64xf32, #tpu.memory_space<vmem>>, %arg5: memref<1x576x2048xf32, #tpu.memory_space<vmem>>, %arg6: memref<1x576x1xi32, #tpu.memory_space<vmem>>, %arg7: memref<1x576x1xf32, #tpu.memory_space<vmem>>, %arg8: memref<576x1xf32, #tpu.memory_space<vmem>>, %arg9: memref<576x1xf32, #tpu.memory_space<vmem>>, %arg10: memref<576x1xf32, #tpu.memory_space<vmem>>, %arg11: memref<576x1xf32, #tpu.memory_space<vmem>>, %arg12: memref<576x1xi32, #tpu.memory_space<vmem>>) attributes {dimension_semantics = [#tpu.dimension_semantics<arbitrary>, #tpu.dimension_semantics<arbitrary>], iteration_bounds = array<i64: 8, 4>, scalar_prefetch = 0 : i64, scratch_operands = 5 : i64, tpu.core_type = #tpu.core_type<tc>, window_params = [{transform_indices = @transform_0, window_bounds = array<i64: 1, 1>}, {transform_indices = @transform_1, window_bounds = array<i64: 1, 576, 64>}, {transform_indices = @transform_2, window_bounds = array<i64: 1, 2048, 64>}, {transform_indices = @transform_3, window_bounds = array<i64: 1, 576, 2048>}, {transform_indices = @transform_4, window_bounds = array<i64: 1, 576, 1>}, {transform_indices = @transform_5, window_bounds = array<i64: 1, 576, 1>}]} {
    %get3A = arith.constant 0 : index
    %get3A_0 = arith.constant 0 : index
    %get3A_1 = arith.constant 0 : index
    %get3A_2 = vector.load %arg3[%get3A, %get3A_0, %get3A_1] : memref<1x576x64xf32, #tpu.memory_space<vmem>>, vector<1x576x64xf32>
    %get3A_3 = vector.shape_cast %get3A_2 : vector<1x576x64xf32> to vector<576x64xf32>
    %get3A_4 = arith.constant 0 : index
    %get3A_5 = arith.constant 0 : index
    %get3A_6 = arith.constant 0 : index
    %get3A_7 = vector.load %arg4[%get3A_4, %get3A_5, %get3A_6] : memref<1x2048x64xf32, #tpu.memory_space<vmem>>, vector<1x2048x64xf32>
    %get3A_8 = vector.shape_cast %get3A_7 : vector<1x2048x64xf32> to vector<2048x64xf32>
    %get3A_9 = arith.constant 0 : index
    %get3A_10 = arith.constant 0 : index
    %get3A_11 = memref.load %arg2[%get3A_9, %get3A_10] : memref<1x1xf32, #tpu.memory_space<smem>>
    %eq3A = arith.constant 0 : i32
    %eq3A_12 = arith.cmpi eq, %arg1, %eq3A : i32
    %convert_element_type3A = arith.extui %eq3A_12 : i1 to i32
    %cond3A = arith.constant 0 : i32
    %cond3A_13 = arith.cmpi ne, %convert_element_type3A, %cond3A : i32
    scf.if %cond3A_13 {
      %broadcast_in_dim3A_100 = arith.constant 0xFF800000 : f32
      %broadcast_in_dim3A_101 = vector.broadcast %broadcast_in_dim3A_100 : f32 to vector<576x1xf32>
      %swap3A_102 = arith.constant 0 : index
      %swap3A_103 = arith.constant 0 : index
      %swap3A_104 = vector.load %arg8[%swap3A_102, %swap3A_103] : memref<576x1xf32, #tpu.memory_space<vmem>>, vector<576x1xf32>
      tpu.vector_store %arg8[%swap3A_102, %swap3A_103], %broadcast_in_dim3A_101 {strides = array<i32>} : memref<576x1xf32, #tpu.memory_space<vmem>>, vector<576x1xf32>,
      %broadcast_in_dim3A_105 = arith.constant 0.000000e+00 : f32
      %broadcast_in_dim3A_106 = vector.broadcast %broadcast_in_dim3A_105 : f32 to vector<576x1xf32>
      %swap3A_107 = arith.constant 0 : index
      %swap3A_108 = arith.constant 0 : index
      %swap3A_109 = vector.load %arg9[%swap3A_107, %swap3A_108] : memref<576x1xf32, #tpu.memory_space<vmem>>, vector<576x1xf32>
      tpu.vector_store %arg9[%swap3A_107, %swap3A_108], %broadcast_in_dim3A_106 {strides = array<i32>} : memref<576x1xf32, #tpu.memory_space<vmem>>, vector<576x1xf32>,
      %broadcast_in_dim3A_110 = arith.constant 0.000000e+00 : f32
      %broadcast_in_dim3A_111 = vector.broadcast %broadcast_in_dim3A_110 : f32 to vector<576x1xf32>
      %swap3A_112 = arith.constant 0 : index
      %swap3A_113 = arith.constant 0 : index
      %swap3A_114 = vector.load %arg10[%swap3A_112, %swap3A_113] : memref<576x1xf32, #tpu.memory_space<vmem>>, vector<576x1xf32>
      tpu.vector_store %arg10[%swap3A_112, %swap3A_113], %broadcast_in_dim3A_111 {strides = array<i32>} : memref<576x1xf32, #tpu.memory_space<vmem>>, vector<576x1xf32>,
      %broadcast_in_dim3A_115 = arith.constant 0xFF800000 : f32
      %broadcast_in_dim3A_116 = vector.broadcast %broadcast_in_dim3A_115 : f32 to vector<576x1xf32>
      %swap3A_117 = arith.constant 0 : index
      %swap3A_118 = arith.constant 0 : index
      %swap3A_119 = vector.load %arg11[%swap3A_117, %swap3A_118] : memref<576x1xf32, #tpu.memory_space<vmem>>, vector<576x1xf32>
      tpu.vector_store %arg11[%swap3A_117, %swap3A_118], %broadcast_in_dim3A_116 {strides = array<i32>} : memref<576x1xf32, #tpu.memory_space<vmem>>, vector<576x1xf32>,
      %broadcast_in_dim3A_120 = arith.constant 0 : i32
      %broadcast_in_dim3A_121 = vector.broadcast %broadcast_in_dim3A_120 : i32 to vector<576x1xi32>
      %swap3A_122 = arith.constant 0 : index
      %swap3A_123 = arith.constant 0 : index
      %swap3A_124 = vector.load %arg12[%swap3A_122, %swap3A_123] : memref<576x1xi32, #tpu.memory_space<vmem>>, vector<576x1xi32>
      tpu.vector_store %arg12[%swap3A_122, %swap3A_123], %broadcast_in_dim3A_121 {strides = array<i32>} : memref<576x1xi32, #tpu.memory_space<vmem>>, vector<576x1xi32>,
    } else {
    }
    %dot_general3A = arith.constant dense<0.000000e+00> : vector<576x2048xf32>
    %dot_general3A_14 = tpu.matmul %get3A_3, %get3A_8, %dot_general3A {dimension_numbers = #tpu.dot_dimension_numbers<[1], [1], [0], [0], [0, 0, 1, 0], [], []>, transpose_lhs_hint = false} : vector<576x64xf32>, vector<2048x64xf32>, vector<576x2048xf32> -> vector<576x2048xf32>
    %mul3A = arith.mulf %get3A_3, %get3A_3 : vector<576x64xf32>
    %reduce_sum3A = arith.constant dense<0.000000e+00> : vector<576xf32>
    %reduce_sum3A_15 = vector.multi_reduction <add>, %mul3A, %reduce_sum3A [1] : vector<576x64xf32> to vector<576xf32>
    %broadcast_in_dim3A = vector.shape_cast %reduce_sum3A_15 : vector<576xf32> to vector<576x1xf32>
    %mul3A_16 = arith.mulf %get3A_8, %get3A_8 : vector<2048x64xf32>
    %reduce_sum3A_17 = arith.constant dense<0.000000e+00> : vector<2048xf32>
    %reduce_sum3A_18 = vector.multi_reduction <add>, %mul3A_16, %reduce_sum3A_17 [1] : vector<2048x64xf32> to vector<2048xf32>
    %broadcast_in_dim3A_19 = vector.shape_cast %reduce_sum3A_18 : vector<2048xf32> to vector<1x2048xf32>
    %mul3A_20 = arith.constant 2.000000e+00 : f32
    %mul3A_21 = vector.broadcast %mul3A_20 : f32 to vector<576x2048xf32>
    %mul3A_22 = arith.mulf %mul3A_21, %dot_general3A_14 : vector<576x2048xf32>
    %sub3A = vector.broadcast %broadcast_in_dim3A : vector<576x1xf32> to vector<576x2048xf32>
    %sub3A_23 = arith.subf %mul3A_22, %sub3A : vector<576x2048xf32>
    %sub3A_24 = vector.broadcast %broadcast_in_dim3A_19 : vector<1x2048xf32> to vector<576x2048xf32>
    %sub3A_25 = arith.subf %sub3A_23, %sub3A_24 : vector<576x2048xf32>
    %swap3A = arith.constant 0 : index
    %swap3A_26 = arith.constant 0 : index
    %swap3A_27 = arith.constant 0 : index
    %swap3A_28 = vector.load %arg5[%swap3A, %swap3A_26, %swap3A_27] : memref<1x576x2048xf32, #tpu.memory_space<vmem>>, vector<1x576x2048xf32>
    %swap3A_29 = vector.shape_cast %swap3A_28 : vector<1x576x2048xf32> to vector<576x2048xf32>
    %swap3A_30 = vector.shape_cast %sub3A_25 : vector<576x2048xf32> to vector<1x576x2048xf32>
    tpu.vector_store %arg5[%swap3A, %swap3A_26, %swap3A_27], %swap3A_30 {strides = array<i32>} : memref<1x576x2048xf32, #tpu.memory_space<vmem>>, vector<1x576x2048xf32>,
    %reduce_max3A = arith.constant dense<0xFF800000> : vector<576xf32>
    %reduce_max3A_31 = vector.multi_reduction <maximumf>, %sub3A_25, %reduce_max3A [1] : vector<576x2048xf32> to vector<576xf32>
    %broadcast_in_dim3A_32 = vector.shape_cast %reduce_max3A_31 : vector<576xf32> to vector<576x1xf32>
    %iota3A = tpu.iota {dimensions = array<i32: 1>} : vector<576x2048xi32>
    %eq3A_33 = vector.broadcast %broadcast_in_dim3A_32 : vector<576x1xf32> to vector<576x2048xf32>
    %eq3A_34 = arith.cmpf oeq, %sub3A_25, %eq3A_33 : vector<576x2048xf32>
    %jit3A = arith.constant 1073741824 : i32
    %broadcast_in_dim3A_35 = vector.broadcast %jit3A : i32 to vector<576x2048xi32>
    %select_n3A = arith.select %eq3A_34, %iota3A, %broadcast_in_dim3A_35 : vector<576x2048xi1>, vector<576x2048xi32>
    %reduce_min3A = arith.constant dense<2147483647> : vector<576xi32>
    %reduce_min3A_36 = vector.multi_reduction <minsi>, %select_n3A, %reduce_min3A [1] : vector<576x2048xi32> to vector<576xi32>
    %broadcast_in_dim3A_37 = vector.shape_cast %reduce_min3A_36 : vector<576xi32> to vector<576x1xi32>
    %get3A_38 = arith.constant 0 : index
    %get3A_39 = arith.constant 0 : index
    %get3A_40 = vector.load %arg11[%get3A_38, %get3A_39] : memref<576x1xf32, #tpu.memory_space<vmem>>, vector<576x1xf32>
    %gt3A = arith.cmpf ogt, %broadcast_in_dim3A_32, %get3A_40 : vector<576x1xf32>
    %get3A_41 = arith.constant 0 : index
    %get3A_42 = arith.constant 0 : index
    %get3A_43 = vector.load %arg11[%get3A_41, %get3A_42] : memref<576x1xf32, #tpu.memory_space<vmem>>, vector<576x1xf32>
    %select_n3A_44 = arith.select %gt3A, %broadcast_in_dim3A_32, %get3A_43 : vector<576x1xi1>, vector<576x1xf32>
    %swap3A_45 = arith.constant 0 : index
    %swap3A_46 = arith.constant 0 : index
    %swap3A_47 = vector.load %arg11[%swap3A_45, %swap3A_46] : memref<576x1xf32, #tpu.memory_space<vmem>>, vector<576x1xf32>
    tpu.vector_store %arg11[%swap3A_45, %swap3A_46], %select_n3A_44 {strides = array<i32>} : memref<576x1xf32, #tpu.memory_space<vmem>>, vector<576x1xf32>,
    %mul3A_48 = arith.constant 2048 : i32
    %mul3A_49 = arith.muli %arg1, %mul3A_48 : i32
    %add3A = vector.broadcast %mul3A_49 : i32 to vector<576x1xi32>
    %add3A_50 = arith.addi %broadcast_in_dim3A_37, %add3A : vector<576x1xi32>
    %get3A_51 = arith.constant 0 : index
    %get3A_52 = arith.constant 0 : index
    %get3A_53 = vector.load %arg12[%get3A_51, %get3A_52] : memref<576x1xi32, #tpu.memory_space<vmem>>, vector<576x1xi32>
    %select_n3A_54 = arith.select %gt3A, %add3A_50, %get3A_53 : vector<576x1xi1>, vector<576x1xi32>
    %swap3A_55 = arith.constant 0 : index
    %swap3A_56 = arith.constant 0 : index
    %swap3A_57 = vector.load %arg12[%swap3A_55, %swap3A_56] : memref<576x1xi32, #tpu.memory_space<vmem>>, vector<576x1xi32>
    tpu.vector_store %arg12[%swap3A_55, %swap3A_56], %select_n3A_54 {strides = array<i32>} : memref<576x1xi32, #tpu.memory_space<vmem>>, vector<576x1xi32>,
    %mul3A_58 = vector.broadcast %get3A_11 : f32 to vector<576x2048xf32>
    %mul3A_59 = arith.mulf %sub3A_25, %mul3A_58 : vector<576x2048xf32>
    %mul3A_60 = vector.broadcast %get3A_11 : f32 to vector<576x1xf32>
    %mul3A_61 = arith.mulf %broadcast_in_dim3A_32, %mul3A_60 : vector<576x1xf32>
    %get3A_62 = arith.constant 0 : index
    %get3A_63 = arith.constant 0 : index
    %get3A_64 = vector.load %arg8[%get3A_62, %get3A_63] : memref<576x1xf32, #tpu.memory_space<vmem>>, vector<576x1xf32>
    %max3A = arith.maximumf %get3A_64, %mul3A_61 : vector<576x1xf32>
    %sub3A_65 = arith.subf %get3A_64, %max3A : vector<576x1xf32>
    %exp3A = math.exp %sub3A_65 : vector<576x1xf32>
    %sub3A_66 = vector.broadcast %max3A : vector<576x1xf32> to vector<576x2048xf32>
    %sub3A_67 = arith.subf %mul3A_59, %sub3A_66 : vector<576x2048xf32>
    %exp3A_68 = math.exp %sub3A_67 : vector<576x2048xf32>
    %get3A_69 = arith.constant 0 : index
    %get3A_70 = arith.constant 0 : index
    %get3A_71 = vector.load %arg9[%get3A_69, %get3A_70] : memref<576x1xf32, #tpu.memory_space<vmem>>, vector<576x1xf32>
    %mul3A_72 = arith.mulf %get3A_71, %exp3A : vector<576x1xf32>
    %reduce_sum3A_73 = arith.constant dense<0.000000e+00> : vector<576xf32>
    %reduce_sum3A_74 = vector.multi_reduction <add>, %exp3A_68, %reduce_sum3A_73 [1] : vector<576x2048xf32> to vector<576xf32>
    %broadcast_in_dim3A_75 = vector.shape_cast %reduce_sum3A_74 : vector<576xf32> to vector<576x1xf32>
    %add3A_76 = arith.addf %mul3A_72, %broadcast_in_dim3A_75 : vector<576x1xf32>
    %swap3A_77 = arith.constant 0 : index
    %swap3A_78 = arith.constant 0 : index
    %swap3A_79 = vector.load %arg9[%swap3A_77, %swap3A_78] : memref<576x1xf32, #tpu.memory_space<vmem>>, vector<576x1xf32>
    tpu.vector_store %arg9[%swap3A_77, %swap3A_78], %add3A_76 {strides = array<i32>} : memref<576x1xf32, #tpu.memory_space<vmem>>, vector<576x1xf32>,
    %get3A_80 = arith.constant 0 : index
    %get3A_81 = arith.constant 0 : index
    %get3A_82 = vector.load %arg10[%get3A_80, %get3A_81] : memref<576x1xf32, #tpu.memory_space<vmem>>, vector<576x1xf32>
    %mul3A_83 = arith.mulf %get3A_82, %exp3A : vector<576x1xf32>
    %mul3A_84 = arith.mulf %exp3A_68, %mul3A_59 : vector<576x2048xf32>
    %reduce_sum3A_85 = arith.constant dense<0.000000e+00> : vector<576xf32>
    %reduce_sum3A_86 = vector.multi_reduction <add>, %mul3A_84, %reduce_sum3A_85 [1] : vector<576x2048xf32> to vector<576xf32>
    %broadcast_in_dim3A_87 = vector.shape_cast %reduce_sum3A_86 : vector<576xf32> to vector<576x1xf32>
    %add3A_88 = arith.addf %mul3A_83, %broadcast_in_dim3A_87 : vector<576x1xf32>
    %swap3A_89 = arith.constant 0 : index
    %swap3A_90 = arith.constant 0 : index
    %swap3A_91 = vector.load %arg10[%swap3A_89, %swap3A_90] : memref<576x1xf32, #tpu.memory_space<vmem>>, vector<576x1xf32>
    tpu.vector_store %arg10[%swap3A_89, %swap3A_90], %add3A_88 {strides = array<i32>} : memref<576x1xf32, #tpu.memory_space<vmem>>, vector<576x1xf32>,
    %swap3A_92 = arith.constant 0 : index
    %swap3A_93 = arith.constant 0 : index
    %swap3A_94 = vector.load %arg8[%swap3A_92, %swap3A_93] : memref<576x1xf32, #tpu.memory_space<vmem>>, vector<576x1xf32>
    tpu.vector_store %arg8[%swap3A_92, %swap3A_93], %max3A {strides = array<i32>} : memref<576x1xf32, #tpu.memory_space<vmem>>, vector<576x1xf32>,
    %eq3A_95 = arith.constant 3 : i32
    %eq3A_96 = arith.cmpi eq, %arg1, %eq3A_95 : i32
    %convert_element_type3A_97 = arith.extui %eq3A_96 : i1 to i32
    %cond3A_98 = arith.constant 0 : i32
    %cond3A_99 = arith.cmpi ne, %convert_element_type3A_97, %cond3A_98 : i32
    scf.if %cond3A_99 {
      %get3A_100 = arith.constant 0 : index
      %get3A_101 = arith.constant 0 : index
      %get3A_102 = vector.load %arg8[%get3A_100, %get3A_101] : memref<576x1xf32, #tpu.memory_space<vmem>>, vector<576x1xf32>
      %get3A_103 = arith.constant 0 : index
      %get3A_104 = arith.constant 0 : index
      %get3A_105 = vector.load %arg9[%get3A_103, %get3A_104] : memref<576x1xf32, #tpu.memory_space<vmem>>, vector<576x1xf32>
      %get3A_106 = arith.constant 0 : index
      %get3A_107 = arith.constant 0 : index
      %get3A_108 = vector.load %arg10[%get3A_106, %get3A_107] : memref<576x1xf32, #tpu.memory_space<vmem>>, vector<576x1xf32>
      %log3A = math.log %get3A_105 : vector<576x1xf32>
      %add3A_109 = arith.addf %get3A_102, %log3A : vector<576x1xf32>
      %div3A = arith.divf %get3A_108, %get3A_105 : vector<576x1xf32>
      %sub3A_110 = arith.subf %add3A_109, %div3A : vector<576x1xf32>
      %swap3A_111 = arith.constant 0 : index
      %swap3A_112 = arith.constant 0 : index
      %swap3A_113 = arith.constant 0 : index
      %swap3A_114 = vector.load %arg7[%swap3A_111, %swap3A_112, %swap3A_113] : memref<1x576x1xf32, #tpu.memory_space<vmem>>, vector<1x576x1xf32>
      %swap3A_115 = vector.shape_cast %swap3A_114 : vector<1x576x1xf32> to vector<576x1xf32>
      %swap3A_116 = vector.shape_cast %sub3A_110 : vector<576x1xf32> to vector<1x576x1xf32>
      tpu.vector_store %arg7[%swap3A_111, %swap3A_112, %swap3A_113], %swap3A_116 {strides = array<i32>} : memref<1x576x1xf32, #tpu.memory_space<vmem>>, vector<1x576x1xf32>,
      %get3A_117 = arith.constant 0 : index
      %get3A_118 = arith.constant 0 : index
      %get3A_119 = vector.load %arg12[%get3A_117, %get3A_118] : memref<576x1xi32, #tpu.memory_space<vmem>>, vector<576x1xi32>
      %swap3A_120 = arith.constant 0 : index
      %swap3A_121 = arith.constant 0 : index
      %swap3A_122 = arith.constant 0 : index
      %swap3A_123 = vector.load %arg6[%swap3A_120, %swap3A_121, %swap3A_122] : memref<1x576x1xi32, #tpu.memory_space<vmem>>, vector<1x576x1xi32>
      %swap3A_124 = vector.shape_cast %swap3A_123 : vector<1x576x1xi32> to vector<576x1xi32>
      %swap3A_125 = vector.shape_cast %get3A_119 : vector<576x1xi32> to vector<1x576x1xi32>
      tpu.vector_store %arg6[%swap3A_120, %swap3A_121, %swap3A_122], %swap3A_125 {strides = array<i32>} : memref<1x576x1xi32, #tpu.memory_space<vmem>>, vector<1x576x1xi32>,
    } else {
    }
    return
  }
  func.func @transform_0(%arg0: i32, %arg1: i32) -> (i32, i32) {
    %c0_i32 = arith.constant 0 : i32
    %c0_i32_0 = arith.constant 0 : i32
    %c0_i32_1 = arith.constant 0 : i32
    return %c0_i32, %c0_i32_0 : i32, i32
  }
  func.func @transform_1(%arg0: i32, %arg1: i32) -> (i32, i32, i32) {
    %c0_i32 = arith.constant 0 : i32
    %c0_i32_0 = arith.constant 0 : i32
    %c0_i32_1 = arith.constant 0 : i32
    return %arg0, %c0_i32, %c0_i32_0 : i32, i32, i32
  }
  func.func @transform_2(%arg0: i32, %arg1: i32) -> (i32, i32, i32) {
    %jit3A = arith.constant 4 : i32
    %eq3A = arith.constant 0 : i32
    %eq3A_0 = arith.cmpi eq, %jit3A, %eq3A : i32
    %jit3A_1 = arith.constant 1 : i32
    %select_n3A = arith.select %eq3A_0, %jit3A_1, %jit3A : i32
    %rem3A = arith.remsi %arg0, %select_n3A : i32
    %ne3A = arith.constant 0 : i32
    %ne3A_2 = arith.cmpi ne, %rem3A, %ne3A : i32
    %lt3A = arith.constant 0 : i32
    %lt3A_3 = arith.cmpi slt, %rem3A, %lt3A : i32
    %lt3A_4 = arith.constant 0 : i32
    %lt3A_5 = arith.cmpi slt, %select_n3A, %lt3A_4 : i32
    %ne3A_6 = arith.xori %lt3A_3, %lt3A_5 : i1
    %and3A = arith.andi %ne3A_6, %ne3A_2 : i1
    %add3A = arith.addi %rem3A, %select_n3A : i32
    %select_n3A_7 = arith.select %and3A, %add3A, %rem3A : i32
    %c0_i32 = arith.constant 0 : i32
    %c0_i32_8 = arith.constant 0 : i32
    return %select_n3A_7, %arg1, %c0_i32 : i32, i32, i32
  }
  func.func @transform_3(%arg0: i32, %arg1: i32) -> (i32, i32, i32) {
    %c0_i32 = arith.constant 0 : i32
    %c0_i32_0 = arith.constant 0 : i32
    return %arg0, %c0_i32, %arg1 : i32, i32, i32
  }
  func.func @transform_4(%arg0: i32, %arg1: i32) -> (i32, i32, i32) {
    %c0_i32 = arith.constant 0 : i32
    %c0_i32_0 = arith.constant 0 : i32
    %c0_i32_1 = arith.constant 0 : i32
    return %arg0, %c0_i32, %c0_i32_0 : i32, i32, i32
  }
  func.func @transform_5(%arg0: i32, %arg1: i32) -> (i32, i32, i32) {
    %c0_i32 = arith.constant 0 : i32
    %c0_i32_0 = arith.constant 0 : i32
    %c0_i32_1 = arith.constant 0 : i32
    return %arg0, %c0_i32, %c0_i32_0 : i32, i32, i32
  }
}

</mosaic_0001>

<sc_bundles>
// kernel: kernel.4.cloned.1.call-start
scs
__scs_entry_jumppad:
0x0: {  	(pc) =	sbr.rel $0x88, $3  }
0x1: {  	(tag) =	ssettag $0x0;
	lr =	simm.s32 $0x1  }
0x2: {  	[smem:$0x3F96] =	sst lr;
	_ =	strace $0xD0000000  }
0x3: {  	_ = 	snop  }
0x4: {  	_ = 	snop  }
0x5: {  	_ = 	snop  }
0x6: {  	_ = 	snop  }
0x7: {  	_ = 	snop  }
__scs_overlays_trampoline_lowered:
0x8: {  	[smem:$0x3FA5] =	sst s0  }
0x9: {  	[smem:$0x3FA6] =	sst s1  }
0xa: {  	[smem:$0x3FA7] =	sst s2  }
0xb: {  	[smem:$0x3FA8] =	sst s3  }
0xc: {  	[smem:$0x3FA9] =	sst s4  }
0xd: {  	[smem:$0x3FAA] =	sst s5  }
0xe: {  	[smem:$0x3FAB] =	sst s6  }
0xf: {  	[smem:$0x3FAC] =	sst s7  }
0x10: {  	[smem:$0x3FAD] =	sst s8  }
0x11: {  	[smem:$0x3FAE] =	sst s9;
	s0 =	simm.s32 @!p0 $0x0  }
0x12: {  	s1 =	sld [smem:$0x3F94];
	s0 =	simm.s32 @p0 $0x1  }
0x13: {  	[smem:$0x3FAF] =	sst s0;
	s0 =	simm.s32 @!p1 $0x0  }
0x14: {  	s2 =	sld [smem:$0x3F93];
	s0 =	simm.s32 @p1 $0x1  }
0x15: {  	[smem:$0x3FB0] =	sst s0;
	s0 =	simm.s32 @!p2 $0x0  }
0x16: {  	s3 =	sld [smem:$0x3FDB];
	s0 =	simm.s32 @p2 $0x1  }
0x17: {  	s4 =	simm.s32 $0x1BF5;
	[smem:$0x3FB2] =	sst s0  }
0x18: {  	s0 =	sld [smem:$0x3F95];
	_ =	swait.ge [sflag:s4], $0x0  }
0x19: {  	s7 =	sld [smem:$0x3F96]  }
0x1a: {  	s8 =	sadd.s32 $0xFFFFE003, lr  }
0x1b: {  	s9 =	sadd.s32 $0xFFFFFEF7, lr;
	s5 =	simm.s32 $0xFFFFFFFF;
	p2 =	slt.u32 s8, $0xFFFFF086  }
0x1c: {  	p1 =	slt.u32 s9, $0xF7A;
	s5 =	simm.s32 @!p2 $0x0  }
0x1d: {  	s5 =	simm.s32 @p1 $0x1;
	p0 =	seq.s32 s7, s2  }
0x1e: {  	s7 =	smul.u32 @!p0 $0xF7A, s2;
	p2 =	seq.s32 @!p0 s5, $0x0  }
0x1f: {  	s9 =	smul.u32 $0xF7A, s1;
	s8 =	simm.s32 @!p0 $0x1BF5;
	p2 =	por !p2, p0  }
0x20: {  	[sflag:s8] =	ssyncset.s32 @!p0 $0xFFFFF086;
	s6 =	sadd.s32 @!p0 s3, s7;
	s7 =	simm.s32 @!p0 $0x108  }
0x21: {  	s3 =	sadd.s32 s3, s9;
	s6 =	sadd.s32 @!p0 $0x88, s6;
	s7 =	simm.s32 @p2 $0x1082  }
0x22: {  	[simem:s7], [sflag:s8] =	dma.local @!p0 [hbm:s6], $0xF7A  }
0x23: {  	s9 =	sor.u32 $0xD0000000, s2;
	s6 =	simm.s32 $0x108;
	_ =	swait.ge @!p0 [sflag:s8], $0x0  }
0x24: {  	s3 =	sadd.s32 $0x88, s3;
	s6 =	simm.s32 @!p1 $0x1082;
	[sflag:s4] =	ssyncset.s32 $0xFFFFF086  }
0x25: {  	[simem:s6], [sflag:s4] =	dma.local [hbm:s3], $0xF7A  }
0x26: {  	[smem:$0x3F96] =	sst s1;
	(tag) =	ssettag s2;
	_ =	strace s9  }
0x27: {  	s1 =	sld [smem:$0x3FA6]  }
0x28: {  	s2 =	sld [smem:$0x3FA7]  }
0x29: {  	s4 =	sld [smem:$0x3FA9]  }
0x2a: {  	p0 =	seq.s32 s5, $0x0;
	s5 =	sld [smem:$0x3FAA]  }
0x2b: {  	s6 =	sld [smem:$0x3FAB]  }
0x2c: {  	s7 =	sld [smem:$0x3FAC]  }
0x2d: {  	s3 =	simm.s32 $0x108;
	s8 =	sld [smem:$0x3FAD]  }
0x2e: {  	s3 =	simm.s32 @!p0 $0x1082;
	s9 =	sld [smem:$0x3FAE]  }
0x2f: {  	lr =	sadd.s32 s0, s3;
	s0 =	sld [smem:$0x3FA5]  }
0x30: {  	s3 =	sld [smem:$0x3FA8]  }
0x31: {  	[smem:$0x3FB1] =	sst s10  }
0x32: {  	s10 =	sld [smem:$0x3FAF];
	_ =	sdelay $0x3  }
0x33: {  	p0 =	seq.s32 s10, $0x1;
	s10 =	sld [smem:$0x3FB1];
	_ =	sdelay $0x3  }
0x34: {  	[smem:$0x3FB1] =	sst s10  }
0x35: {  	s10 =	sld [smem:$0x3FB0];
	_ =	sdelay $0x3  }
0x36: {  	p1 =	seq.s32 s10, $0x1;
	s10 =	sld [smem:$0x3FB1];
	_ =	sdelay $0x3  }
0x37: {  	[smem:$0x3FB1] =	sst s10  }
0x38: {  	s10 =	sld [smem:$0x3FB2]  }
0x39: {  	_ = 	snop;
	(pc) =	sbr.ind lr, $3  }
0x3a: {  	_ = 	snop  }
0x3b: {  	_ = 	snop  }
0x3c: {  	p2 =	seq.s32 s10, $0x1;
	s10 =	sld [smem:$0x3FB1]  }
0x3d: {  	_ =	shalt  }
0x3e: {  	_ =	shalt  }
0x3f: {  	_ =	shalt  }
0x40: {  	_ =	shalt  }
0x41: {  	_ =	shalt  }
0x42: {  	_ =	shalt  }
0x43: {  	_ =	shalt  }
0x44: {  	_ =	shalt  }
0x45: {  	_ =	shalt  }
0x46: {  	_ =	shalt  }
0x47: {  	_ =	shalt  }
0x48: {  	_ =	shalt  }
0x49: {  	_ =	shalt  }
0x4a: {  	_ =	shalt  }
0x4b: {  	_ =	shalt  }
0x4c: {  	_ =	shalt  }
0x4d: {  	_ =	shalt  }
0x4e: {  	_ =	shalt  }
0x4f: {  	_ =	shalt  }
0x50: {  	_ =	shalt  }
0x51: {  	_ =	shalt  }
0x52: {  	_ =	shalt  }
0x53: {  	_ =	shalt  }
0x54: {  	_ =	shalt  }
0x55: {  	_ =	shalt  }
0x56: {  	_ =	shalt  }
0x57: {  	_ =	shalt  }
0x58: {  	_ =	shalt  }
0x59: {  	_ =	shalt  }
0x5a: {  	_ =	shalt  }
0x5b: {  	_ =	shalt  }
0x5c: {  	_ =	shalt  }
0x5d: {  	_ =	shalt  }
0x5e: {  	_ =	shalt  }
0x5f: {  	_ =	shalt  }
0x60: {  	_ =	shalt  }
0x61: {  	_ =	shalt  }
0x62: {  	_ =	shalt  }
0x63: {  	_ =	shalt  }
0x64: {  	_ =	shalt  }
0x65: {  	_ =	shalt  }
0x66: {  	_ =	shalt  }
0x67: {  	_ =	shalt  }
0x68: {  	_ =	shalt  }
0x69: {  	_ =	shalt  }
0x6a: {  	_ =	shalt  }
0x6b: {  	_ =	shalt  }
0x6c: {  	_ =	shalt  }
0x6d: {  	_ =	shalt  }
0x6e: {  	_ =	shalt  }
0x6f: {  	_ =	shalt  }
0x70: {  	_ =	shalt  }
0x71: {  	_ =	shalt  }
0x72: {  	_ =	shalt  }
0x73: {  	_ =	shalt  }
0x74: {  	_ =	shalt  }
0x75: {  	_ =	shalt  }
0x76: {  	_ =	shalt  }
0x77: {  	_ =	shalt  }
0x78: {  	_ =	shalt  }
0x79: {  	_ =	shalt  }
0x7a: {  	_ =	shalt  }
0x7b: {  	_ =	shalt  }
0x7c: {  	_ =	shalt  }
0x7d: {  	_ =	shalt  }
0x7e: {  	_ =	shalt  }
0x7f: {  	_ =	shalt  }
0x80: {  	_ =	shalt  }
0x81: {  	_ =	shalt  }
0x82: {  	_ =	shalt  }
0x83: {  	_ =	shalt  }
0x84: {  	_ =	shalt  }
0x85: {  	_ =	shalt  }
0x86: {  	_ =	shalt  }
0x87: {  	_ =	shalt  }
.Lfunc_end0:
.L_simem_size_0:
called_computation_lowered:
.L_overlay_start_0:
0x88: {  	s2 =	sld [smem:$0x3FD9]  }
0x89: {  	s3 =	sld [smem:$0x3FFE];
	_ =	sdelay $0x1  }
0x8a: {  	s1 =	srdreg.scid  }
0x8b: {  	s0 =	sand.u32 $0x1, s1  }
0x8c: {  	s14 =	sshll.u32 s0, $0xA;
	s2 =	sadd.s32 s3, s2  }
0x8d: {  	s2 =	sadd.s32 s2, s14  }
0x8e: {  	[smem:$0x3FBD] =	sst s2  }
0x8f: {  	_ = 	snop  }
0x90: {  	s2 =	sld [smem:$0x3FD0];
	_ =	sdelay $0x2  }
0x91: {  	s15 =	simm.s32 $0xA;
	s4 =	simm.s32 $0x10  }
0x92: {  	[smem:s4], [sflag:s15] =	dma.local [hbm:s2], $0x1  }
0x93: {  	_ =	swait.eq [sflag:s15], $0x1  }
0x94: {  	[sflag:s15] =	ssyncset.done $0x0  }
0x95: {  	[sflag:s15] =	ssyncadd.s32 $0xFFFFFFFF  }
0x96: {  	s16 =	sld [smem:$0x15];
	(tm) =	ssettm $0x1  }
0x97: {  	s17 =	sld [smem:$0x3FFB];
	_ =	sdelay $0x3  }
0x98: {  	_ =	strace s17  }
0x99: {  	s3 =	sld [smem:$0x3FFC];
	_ =	sdelay $0x3  }
0x9a: {  	_ =	strace s3  }
0x9b: {  	s3 =	sld [smem:$0x3FFD];
	_ =	sdelay $0x3  }
0x9c: {  	_ =	strace s3  }
0x9d: {  	_ =	strace $0x8FFFFFFF  }
0x9e: {  	s18 =	sld [smem:$0x3FDB];
	_ =	sdelay $0x1  }
0x9f: {  	s19 =	simm.s32 $_scs_section_size  }
0xa0: {  	s5 =	simm.s32 $_size__tile_overlayer_lowered;
	s6 =	simm.s32 $_tile_overlayer_lowered  }
0xa1: {  	s22 =	simm.s32 $0x1BFF;
	s21 =	sshll.u32 s6, $0x1;
	s3 =	sadd.s32 s19, s18  }
0xa2: {  	s7 =	simm.s32 $0x0;
	s20 =	sshll.u32 s5, $0x1;
	s5 =	sadd.s32 s21, s3  }
0xa3: {  	[timem:s7], [sflag:s22] =	dma.local [hbm:s5], s20  }
0xa4: {  	_ =	swait.ge [sflag:s22], s20  }
0xa5: {  	s4 =	ssub.s32 $0x0, s20;
	[sflag:s22] =	ssyncset.done $0x0  }
0xa6: {  	[sflag:s22] =	ssyncadd.s32 s4;
	_ =	sdelay $0x1  }
0xa7: {  	s23 =	simm.s32 $0x1B8B  }
0xa8: {  	_ =	swait.ge [sflag:s23], $0x1  }
0xa9: {  	[sflag:s23] =	ssyncset.done $0x0  }
0xaa: {  	s25 =	simm.s32 $0x1B8E;
	s24 =	sld [smem:$0x3FFE];
	[sflag:s23] =	ssyncadd.s32 $0xFFFFFFFF  }
0xab: {  	s26 =	simm.s32 $execute0_lowered;
	[smem:$0x3FD2] =	sst s25  }
0xac: {  	s5 =	sshll.u32 s26, $0x1;
	_ =	strace $0x80000046;
	[dreg:$0x1] =	wrdreg $0xFFFFFFFF  }
0xad: {  	s28 =	simm.s32 $_size_execute0_lowered;
	s3 =	sadd.s32 s3, s5;
	[dreg:$0x0] =	wrdreg $0x0  }
0xae: {  	s5 =	sshll.u32 s28, $0x1;
	[dreg:$0x2] =	wrdreg s3  }
0xaf: {  	[dreg:$0x3] =	wrdreg s5  }
0xb0: {  	[dreg:$0x4] =	wrdreg $0xC0  }
0xb1: {  	_ =	task [dreg:s7], $0x5FFFF  }
0xb2: {  	[dreg:$0x1] =	wrdreg $0xFFFFFFFF  }
0xb3: {  	[dreg:$0x0] =	wrdreg $0x60  }
0xb4: {  	[dreg:$0x2] =	wrdreg s24  }
0xb5: {  	[dreg:$0x3] =	wrdreg s16  }
0xb6: {  	[dreg:$0x4] =	wrdreg $0x9  }
0xb7: {  	_ =	task.clear_ibuf [dreg:s7], $0x5FFFF;
	_ =	strace $0x90000046  }
0xb8: {  	s29 =	simm.s32 $0x9;
	_ =	strace $0x80000048  }
0xb9: {  	_ =	swait.ge [sflag:s29], $0x1  }
0xba: {  	[sflag:s29] =	ssyncadd.s32 $0xFFFFFFFF  }
0xbb: {  	_ =	strace $0x90000048  }
0xbc: {  	_ =	sfence  }
0xbd: {  	s30 =	sld [smem:$0x0];
	_ =	sdelay $0x2  }
0xbe: {  	s31 =	sshll.u32 s1, $0xD;
	s1 =	sshrl.u32 s1, $0x2  }
0xbf: {  	s3 =	sand.u32 $0x4000, s31;
	s1 =	sadd.s32 s1, s30  }
0xc0: {  	s0 =	sor.u32 s3, s0;
	s1 =	sshll.u32 s1, $0x11  }
0xc1: {  	s0 =	sor.u32 s1, s0  }
0xc2: {  	s0 =	sadd.s32 $0x8F2B, s0  }
0xc3: {  	[sflag:s0] =	ssyncadd.remote.s32 $0x1  }
0xc4: {  	_ =	sfence.sel $0xFFFF  }
0xc5: {  	[dreg:$0x0] =	wrdreg $0xFFFFFFFF;
	(pc) =	sbr.abs _section_cstart, $3  }
0xc6: {  	[dreg:$0x1] =	wrdreg $0xFFFFFFFF  }
0xc7: {  	_ =	task.clear_ibuf [dreg:s7], $0x2FFFF;
	_ =	strace $0x9FFFFFFF  }
0xc8: {  	(tm) =	ssettm $0x7FFFFFFF  }
0xc9: {  	_ =	shalt  }
tec
execute0_lowered:
.L_overlay_start_1:
0x0: {  	(tag) =	ssettag $0x1  }
0x1: {  	s1 =	srdreg.scid  }
0x2: {  	s0 =	stileid.u32;
	s9 =	rddreg [dreg:$0x0]  }
0x3: {  	s3 =	rddreg [dreg:$0x1];
	s6 =	sand.u32 $0x1, s1;
	s30 =	sshll.u32 s0, $0x1  }
0x4: {  	s2 =	simm.s32 $0x0;
	s1 =	rddreg [dreg:$0x2];
	s7 =	sor.u32 s6, s30  }
0x5: {  	s8 =	simm.s32 $0x1;
	[smem:$0x7FF] =	sst s2;
	s4 =	smul.u32 $0x12, s7  }
0x6: {  	s5 =	sadd.s32 $0x82400, s9;
	_ =	strace $0x80000047;
	s11 =	ssub.s32 $0x2, s6  }
0x7: {  	s6 =	simm.s32 $0x90;
	s4 =	sadd.s32 s3, s4;
	s3 =	simm.s32 $0x2  }
0x8: {  	[tilespmem:s2], [sflag:$0x2] =	stream.linear.gather [hbm4b:s4+s2], $0x90, $0x38;
	[tilespmem:$0x4900] =	vst v63  }
0x9: {  	s10 =	smul.u32 $0x900, s7;
	s12 =	sshrl.u32 s11, $0x1;
	_ =	swait.ge [sflag:s3], $0x90  }
0xa: {  	s7 =	simm.s32 $0x100;
	s31 =	ssub.s32 s11, s12;
	[sflag:s3] =	ssyncset.done $0x0  }
0xb: {  	s9 =	sadd.s32 s10, s9;
	s10 =	smax.u32 s31, $0x1;
	[sflag:s3] =	ssyncadd.s32 $0xFFFFFF70  }
0xc: {  	[tilespmem:s7], [sflag:$0x1] =	stream.indirect.gather [hbm4b:s5+s6], $0x80, s2, s6, $0xb8;
	[tilespmem:$0x4900] =	vst v63  }
0xd: {  	p0 =	sne.s32 s10, $0x1;
	_ =	swait.ge [sflag:s8], $0x4800  }
.Ltmp0:
0xe: {  	[sflag:s8] =	ssyncset.done $0x0;
	(pc) =	sbr.rel @!p0 .LBB2_2-.Ltmp0, $4  }
0xf: {  	s9 =	sadd.s32 $0x2400, s9;
	[sflag:s8] =	ssyncadd.s32 $0xFFFFB800  }
0x10: {  	[hbm4b:s9+s2] =	stream.linear.scatter [tilespmem:s7], [sflag:$0x2], $0x4800, $0x38;
	[tilespmem:$0x4900] =	vst v63  }
0x11: {  	_ =	swait.ge [sflag:s3], $0x4800  }
0x12: {  	s10 =	sadd.s32 $0xFFFFFFFF, s10;
	[sflag:s3] =	ssyncset.done $0x0  }
.LBB2_1:
0x13: {  	p0 =	sne.s32 s10, $0x1;
	s10 =	sadd.s32 $0xFFFFFFFF, s10;
	[sflag:s3] =	ssyncadd.s32 $0xFFFFB800  }
0x14: {  	[tilespmem:s2], [sflag:$0x2] =	stream.linear.gather [hbm4b:s4+s2], $0x90, $0x38;
	[tilespmem:$0x4900] =	vst v63  }
0x15: {  	_ =	swait.ge [sflag:s3], $0x90  }
0x16: {  	[sflag:s3] =	ssyncset.done $0x0  }
0x17: {  	[sflag:s3] =	ssyncadd.s32 $0xFFFFFF70  }
0x18: {  	[tilespmem:s7], [sflag:$0x1] =	stream.indirect.gather [hbm4b:s5+s6], $0x80, s2, s6, $0xb8;
	[tilespmem:$0x4900] =	vst v63  }
0x19: {  	_ =	swait.ge [sflag:s8], $0x4800  }
.Ltmp1:
0x1a: {  	[sflag:s8] =	ssyncset.done $0x0;
	(pc) =	sbr.rel @p0 .LBB2_1-.Ltmp1, $4  }
0x1b: {  	[sflag:s8] =	ssyncadd.s32 $0xFFFFB800  }
0x1c: {  	[hbm4b:s9+s2] =	stream.linear.scatter [tilespmem:s7], [sflag:$0x2], $0x4800, $0x38;
	[tilespmem:$0x4900] =	vst v63  }
0x1d: {  	_ =	swait.ge [sflag:s3], $0x4800  }
0x1e: {  	[sflag:s3] =	ssyncset.done $0x0  }
.LBB2_2:
0x1f: {  	[sflag:s3] =	ssyncadd.s32 $0xFFFFB800  }
0x20: {  	_ =	sfence.sel $0x180000  }
0x21: {  	[bflag:$0x0] =	sbarrier.arrive $0xFFFF  }
0x22: {  	p0 =	sne.s32 s0, $0x0;
	_ =	strace $0x90000047  }
0x23: {  	s0 =	sadd.s32 @!p0 $0x100000, s1;
	[bflag:$0x2] =	sbarrier.arrive $0xFFFF  }
0x24: {  	[sflag:s0] =	ssyncadd.tile.s32 @!p0 $0x1;
	_ =	shalt  }
.Lfunc_end2:
_tile_overlayer_lowered:
.L_overlay_start_2:
0x25: {  	(tag) =	ssettag $0x2  }
0x26: {  	s0 =	rddreg [dreg:$0x0];
	s2 =	stileid.u32  }
0x27: {  	s1 =	rddreg [dreg:$0x1];
	p0 =	sne.s32 s2, $0x0  }
0x28: {  	s3 =	rddreg [dreg:$0x2];
	[bflag:$0x3] =	sbarrier.arrive $0xFFFF;
	s2 =	simm.s32 @!p0 $0x1C02  }
0x29: {  	[timem:s3], [sflag:s2] =	dma.local @!p0 [hbm:s0], s1  }
0x2a: {  	s0 =	simm.s32 @!p0 $0x2  }
0x2b: {  	_ =	swait.ge @!p0 [sflag:s0], s1  }
0x2c: {  	s1 =	ssub.s32 @!p0 $0x0, s1;
	[sflag:s0] =	ssyncset.done @!p0 $0x0  }
0x2d: {  	[sflag:s0] =	ssyncadd.s32 @!p0 s1  }
0x2e: {  	[bflag:$0x3] =	sbarrier.arrive $0xFFFF  }
0x2f: {  	_ =	shalt  }

</sc_bundles>
